<compile_context>
chip_gen: v7x
topology: tpu7x:2x2x1
jax: 0.10.2.dev20260603
libtpu: 0.0.44.dev20260713+nightly
codegen_flags: <defaults>
</compile_context>

<pallas_src>
import functools

import jax
import jax.numpy as jnp
from jax import lax
from jax.experimental import pallas as pl
from jax.experimental.pallas import tpu as pltpu
from jax.experimental.pallas import tpu_sc as plsc

_NC = 1
_NS = 16
_NW = _NC * _NS
_L = 16


@functools.lru_cache(maxsize=None)
def _build(B: int, E: int):
    e_per = E // _NW
    mesh = plsc.VectorSubcoreMesh(core_axis_name="c", subcore_axis_name="s",
                                  num_cores=_NC)

    @functools.partial(
        pl.kernel,
        mesh=mesh,
        out_type=jax.ShapeDtypeStruct((E,), jnp.int32),
        compiler_params=pltpu.CompilerParams(needs_layout_passes=False),
        scratch_types=[
            pltpu.VMEM((2 * _L,), jnp.int32),
            pltpu.VMEM((2 * _L,), jnp.int32),
            pltpu.VMEM((e_per,), jnp.int32),
            pltpu.SemaphoreType.DMA,
            pltpu.SemaphoreType.DMA,
        ],
    )
    def merged_source_kernel(nrl_hbm, erl_hbm, esrc_hbm, out_hbm,
                             len_v, tab_v, src_v, sem_src, sem_len):
        wid = lax.axis_index("s") * _NC + lax.axis_index("c")
        base = wid * e_per
        cp_src = pltpu.async_copy(esrc_hbm.at[pl.ds(base, e_per)], src_v,
                                  sem_src)
        cp_n = pltpu.async_copy(nrl_hbm, len_v.at[pl.ds(0, B)], sem_len)
        cp_e = pltpu.async_copy(erl_hbm, len_v.at[pl.ds(_L, B)], sem_len)
        cp_n.wait()
        cp_e.wait()

        nrl = len_v[pl.ds(0, _L)]
        erl = len_v[pl.ds(_L, _L)]
        tab_v[pl.ds(0, _L)] = jnp.cumsum(nrl) - nrl
        tab_v[pl.ds(_L, _L)] = jnp.cumsum(erl) - erl

        starts = [
            plsc.load_gather(tab_v, [jnp.full((_L,), _L + j, jnp.int32)])
            for j in range(1, B)
        ]

        def graph_id(pos):
            gid = jnp.zeros((_L,), jnp.int32)
            for j, s in enumerate(starts):
                gid = jnp.where(pos >= s, jnp.int32(j + 1), gid)
            return gid

        gid_lo = graph_id(jnp.full((_L,), base, jnp.int32))
        gid_hi = graph_id(jnp.full((_L,), base + (e_per - 1), jnp.int32))
        uniform = jnp.min(gid_lo) == jnp.max(gid_hi)
        cp_src.wait()

        @pl.when(uniform)
        def _fast():
            off = plsc.load_gather(tab_v, [gid_lo])

            @plsc.parallel_loop(0, e_per, step=_L, unroll=8)
            def _body(i):
                sl = pl.ds(i, _L)
                src_v[sl] = src_v[sl] + off

        @pl.when(jnp.logical_not(uniform))
        def _general():
            pos0 = base + lax.iota(jnp.int32, _L)

            @plsc.parallel_loop(0, e_per, step=_L, unroll=4)
            def _body(i):
                off = plsc.load_gather(tab_v, [graph_id(pos0 + i)])
                sl = pl.ds(i, _L)
                src_v[sl] = src_v[sl] + off

        pltpu.sync_copy(src_v, out_hbm.at[pl.ds(base, e_per)])

    return merged_source_kernel


def kernel(node_features, node_row_lengths, edge_source, edge_target,
           edge_row_lengths):
    B = node_row_lengths.shape[0]
    E = edge_source.shape[0]
    return _build(B, E)(node_row_lengths, edge_row_lengths, edge_source)

# --- scband reference (transcript-rebuilt; emitter-appended) ---
"""Pipeline reference for scband-make-graph-tensor-merged-850403525189 (READ-ONLY COPY).

The authoritative reference and input builder live on the scoring server;
editing this copy changes nothing except your own understanding.
"""

import jax, jax.numpy as jnp
import numpy as np

B = 8
NODES_PER_GRAPH = 1024
EDGES_PER_GRAPH = 4096
D = 256
TOTAL_NODES = B * NODES_PER_GRAPH
TOTAL_EDGES = B * EDGES_PER_GRAPH


def setup_inputs(seed: int = 0) -> dict:
    key = jax.random.key(seed)
    k1, k2, k3 = jax.random.split(key, 3)
    node_features = jax.random.normal(k1, (TOTAL_NODES, D), dtype=jnp.float32)
    # Ragged row lengths must sum to the flat lengths; use uniform lengths.
    node_row_lengths = jnp.full((B,), NODES_PER_GRAPH, dtype=jnp.int32)
    edge_row_lengths = jnp.full((B,), EDGES_PER_GRAPH, dtype=jnp.int32)
    # Per-graph-local edge endpoints (valid range [0, NODES_PER_GRAPH)).
    edge_source = jax.random.randint(k2, (TOTAL_EDGES,), 0, NODES_PER_GRAPH, dtype=jnp.int32)
    edge_target = jax.random.randint(k3, (TOTAL_EDGES,), 0, NODES_PER_GRAPH, dtype=jnp.int32)
    return {
        'node_features': node_features,
        'node_row_lengths': node_row_lengths,
        'edge_source': edge_source,
        'edge_target': edge_target,
        'edge_row_lengths': edge_row_lengths,
    }


def reference(node_features, node_row_lengths, edge_source, edge_target, edge_row_lengths):
    # GraphTensor.merge_batch_to_components(): each graph in the batch becomes a
    # component; node indices of edges are shifted by the exclusive cumulative
    # sum of node counts of preceding graphs. The layer returns the merged
    # adjacency source indices.
    node_offsets = jnp.concatenate([
        jnp.zeros((1,), dtype=node_row_lengths.dtype),
        jnp.cumsum(node_row_lengths)[:-1],
    ])
    per_edge_offsets = jnp.repeat(
        node_offsets, edge_row_lengths, total_repeat_length=edge_source.shape[0])
    merged_source = edge_source + per_edge_offsets
    return merged_source

if __name__ == "__main__":
    import jax
    _d = setup_inputs()
    print(jax.jit(kernel)(*tuple(_d.values())))

</pallas_src>

<mosaic_0001>
#map = affine_map<(d0, d1) -> (0)>
module attributes {stable_mosaic.version = 14 : i64} {
  func.func @merged_source_kernel(%arg0: i32, %arg1: i32, %arg2: memref<8xi32, #tpu.memory_space<hbm>>, %arg3: memref<8xi32, #tpu.memory_space<hbm>>, %arg4: memref<32768xi32, #tpu.memory_space<hbm>>, %arg5: memref<32768xi32, #tpu.memory_space<hbm>>, %arg6: memref<32xi32, #tpu.memory_space<vmem>>, %arg7: memref<32xi32, #tpu.memory_space<vmem>>, %arg8: memref<2048xi32, #tpu.memory_space<vmem>>, %arg9: memref<!tpu.dma_semaphore, #tpu.memory_space<semaphore_mem>>, %arg10: memref<!tpu.dma_semaphore, #tpu.memory_space<semaphore_mem>>) attributes {dimension_semantics = [#tpu.dimension_semantics<core_parallel>, #tpu.dimension_semantics<subcore_parallel>], iteration_bounds = array<i64: 1, 16>, scalar_prefetch = 0 : i64, scratch_operands = 5 : i64, tpu.core_type = #tpu.core_type<sc_vector_subcore>, window_params = [{transform_indices = #map}, {transform_indices = #map}, {transform_indices = #map}, {transform_indices = #map}]} {
    %mul3A = arith.constant 1 : i32
    %mul3A_0 = arith.muli %arg1, %mul3A : i32
    %add3A = arith.addi %mul3A_0, %arg0 : i32
    %mul3A_1 = arith.constant 2048 : i32
    %mul3A_2 = arith.muli %add3A, %mul3A_1 : i32
    %dma_start3A = tpu.memref_slice %arg4[%mul3A_2] : memref<32768xi32, #tpu.memory_space<hbm>> -> memref<2048xi32, #tpu.memory_space<hbm>>
    %dma_start3A_3 = tpu.memref_slice %arg4[%mul3A_2] : memref<32768xi32, #tpu.memory_space<hbm>> -> memref<2048xi32, #tpu.memory_space<hbm>>
    tpu.enqueue_dma source(%dma_start3A_3 : memref<2048xi32, #tpu.memory_space<hbm>>) target(%arg8 : memref<2048xi32, #tpu.memory_space<vmem>>) target_semaphore(%arg9 : memref<!tpu.dma_semaphore, #tpu.memory_space<semaphore_mem>>)
    %dma_start3A_4 = arith.constant 0 : i32
    %dma_start3A_5 = tpu.memref_slice %arg6[%dma_start3A_4] : memref<32xi32, #tpu.memory_space<vmem>> -> memref<8xi32, #tpu.memory_space<vmem>>
    %dma_start3A_6 = arith.constant 0 : i32
    %dma_start3A_7 = tpu.memref_slice %arg6[%dma_start3A_6] : memref<32xi32, #tpu.memory_space<vmem>> -> memref<8xi32, #tpu.memory_space<vmem>>
    tpu.enqueue_dma source(%arg2 : memref<8xi32, #tpu.memory_space<hbm>>) target(%dma_start3A_7 : memref<8xi32, #tpu.memory_space<vmem>>) target_semaphore(%arg10 : memref<!tpu.dma_semaphore, #tpu.memory_space<semaphore_mem>>)
    %dma_start3A_8 = arith.constant 16 : i32
    %dma_start3A_9 = tpu.memref_slice %arg6[%dma_start3A_8] : memref<32xi32, #tpu.memory_space<vmem>> -> memref<8xi32, #tpu.memory_space<vmem>>
    %dma_start3A_10 = arith.constant 16 : i32
    %dma_start3A_11 = tpu.memref_slice %arg6[%dma_start3A_10] : memref<32xi32, #tpu.memory_space<vmem>> -> memref<8xi32, #tpu.memory_space<vmem>>
    tpu.enqueue_dma source(%arg3 : memref<8xi32, #tpu.memory_space<hbm>>) target(%dma_start3A_11 : memref<8xi32, #tpu.memory_space<vmem>>) target_semaphore(%arg10 : memref<!tpu.dma_semaphore, #tpu.memory_space<semaphore_mem>>)
    %dma_wait3A = arith.constant 0 : i32
    %dma_wait3A_12 = tpu.memref_slice %arg6[%dma_wait3A] : memref<32xi32, #tpu.memory_space<vmem>> -> memref<8xi32, #tpu.memory_space<vmem>>
    %dma_wait3A_13 = arith.constant 0 : i32
    %dma_wait3A_14 = tpu.memref_slice %arg6[%dma_wait3A_13] : memref<32xi32, #tpu.memory_space<vmem>> -> memref<8xi32, #tpu.memory_space<vmem>>
    tpu.wait_dma2 semaphore(%arg10 : memref<!tpu.dma_semaphore, #tpu.memory_space<semaphore_mem>>) src(%arg2 : memref<8xi32, #tpu.memory_space<hbm>>) dst(%dma_wait3A_14 : memref<8xi32, #tpu.memory_space<vmem>>)
    %dma_wait3A_15 = arith.constant 16 : i32
    %dma_wait3A_16 = tpu.memref_slice %arg6[%dma_wait3A_15] : memref<32xi32, #tpu.memory_space<vmem>> -> memref<8xi32, #tpu.memory_space<vmem>>
    %dma_wait3A_17 = arith.constant 16 : i32
    %dma_wait3A_18 = tpu.memref_slice %arg6[%dma_wait3A_17] : memref<32xi32, #tpu.memory_space<vmem>> -> memref<8xi32, #tpu.memory_space<vmem>>
    tpu.wait_dma2 semaphore(%arg10 : memref<!tpu.dma_semaphore, #tpu.memory_space<semaphore_mem>>) src(%arg3 : memref<8xi32, #tpu.memory_space<hbm>>) dst(%dma_wait3A_18 : memref<8xi32, #tpu.memory_space<vmem>>)
    %get3A = arith.constant 0 : index
    %get3A_19 = tpu.vector_load %arg6[%get3A] {strides = array<i32>} : memref<32xi32, #tpu.memory_space<vmem>>, vector<16xi32>,
    %get3A_20 = arith.constant 16 : index
    %get3A_21 = tpu.vector_load %arg6[%get3A_20] {strides = array<i32>} : memref<32xi32, #tpu.memory_space<vmem>>, vector<16xi32>,
    %cumsum3A = arith.constant true
    %cumsum3A_22 = vector.broadcast %cumsum3A : i1 to vector<16xi1>
    %cumsum3A_23 = tpu.scan <sum>, %get3A_19 masked %cumsum3A_22 : vector<16xi32>, vector<16xi1> -> vector<16xi32>
    %sub3A = arith.subi %cumsum3A_23, %get3A_19 : vector<16xi32>
    %swap3A = arith.constant 0 : index
    %swap3A_24 = tpu.vector_load %arg7[%swap3A] {strides = array<i32>} : memref<32xi32, #tpu.memory_space<vmem>>, vector<16xi32>,
    tpu.vector_store %arg7[%swap3A], %sub3A {strides = array<i32>} : memref<32xi32, #tpu.memory_space<vmem>>, vector<16xi32>,
    %cumsum3A_25 = arith.constant true
    %cumsum3A_26 = vector.broadcast %cumsum3A_25 : i1 to vector<16xi1>
    %cumsum3A_27 = tpu.scan <sum>, %get3A_21 masked %cumsum3A_26 : vector<16xi32>, vector<16xi1> -> vector<16xi32>
    %sub3A_28 = arith.subi %cumsum3A_27, %get3A_21 : vector<16xi32>
    %swap3A_29 = arith.constant 16 : index
    %swap3A_30 = tpu.vector_load %arg7[%swap3A_29] {strides = array<i32>} : memref<32xi32, #tpu.memory_space<vmem>>, vector<16xi32>,
    tpu.vector_store %arg7[%swap3A_29], %sub3A_28 {strides = array<i32>} : memref<32xi32, #tpu.memory_space<vmem>>, vector<16xi32>,
    %broadcast_in_dim3A = arith.constant 17 : i32
    %broadcast_in_dim3A_31 = vector.broadcast %broadcast_in_dim3A : i32 to vector<16xi32>
    %gather3A = tpu.vector_load_idx %arg7[%broadcast_in_dim3A_31] : memref<32xi32, #tpu.memory_space<vmem>>[vector<16xi32>], vector<16xi32>,
    %broadcast_in_dim3A_32 = arith.constant 18 : i32
    %broadcast_in_dim3A_33 = vector.broadcast %broadcast_in_dim3A_32 : i32 to vector<16xi32>
    %gather3A_34 = tpu.vector_load_idx %arg7[%broadcast_in_dim3A_33] : memref<32xi32, #tpu.memory_space<vmem>>[vector<16xi32>], vector<16xi32>,
    %broadcast_in_dim3A_35 = arith.constant 19 : i32
    %broadcast_in_dim3A_36 = vector.broadcast %broadcast_in_dim3A_35 : i32 to vector<16xi32>
    %gather3A_37 = tpu.vector_load_idx %arg7[%broadcast_in_dim3A_36] : memref<32xi32, #tpu.memory_space<vmem>>[vector<16xi32>], vector<16xi32>,
    %broadcast_in_dim3A_38 = arith.constant 20 : i32
    %broadcast_in_dim3A_39 = vector.broadcast %broadcast_in_dim3A_38 : i32 to vector<16xi32>
    %gather3A_40 = tpu.vector_load_idx %arg7[%broadcast_in_dim3A_39] : memref<32xi32, #tpu.memory_space<vmem>>[vector<16xi32>], vector<16xi32>,
    %broadcast_in_dim3A_41 = arith.constant 21 : i32
    %broadcast_in_dim3A_42 = vector.broadcast %broadcast_in_dim3A_41 : i32 to vector<16xi32>
    %gather3A_43 = tpu.vector_load_idx %arg7[%broadcast_in_dim3A_42] : memref<32xi32, #tpu.memory_space<vmem>>[vector<16xi32>], vector<16xi32>,
    %broadcast_in_dim3A_44 = arith.constant 22 : i32
    %broadcast_in_dim3A_45 = vector.broadcast %broadcast_in_dim3A_44 : i32 to vector<16xi32>
    %gather3A_46 = tpu.vector_load_idx %arg7[%broadcast_in_dim3A_45] : memref<32xi32, #tpu.memory_space<vmem>>[vector<16xi32>], vector<16xi32>,
    %broadcast_in_dim3A_47 = arith.constant 23 : i32
    %broadcast_in_dim3A_48 = vector.broadcast %broadcast_in_dim3A_47 : i32 to vector<16xi32>
    %gather3A_49 = tpu.vector_load_idx %arg7[%broadcast_in_dim3A_48] : memref<32xi32, #tpu.memory_space<vmem>>[vector<16xi32>], vector<16xi32>,
    %broadcast_in_dim3A_50 = vector.broadcast %mul3A_2 : i32 to vector<16xi32>
    %broadcast_in_dim3A_51 = arith.constant 0 : i32
    %broadcast_in_dim3A_52 = vector.broadcast %broadcast_in_dim3A_51 : i32 to vector<16xi32>
    %ge3A = arith.cmpi sge, %broadcast_in_dim3A_50, %gather3A : vector<16xi32>
    %jit3A = arith.constant 1 : i32
    %broadcast_in_dim3A_53 = vector.broadcast %jit3A : i32 to vector<16xi32>
    %select_n3A = arith.select %ge3A, %broadcast_in_dim3A_53, %broadcast_in_dim3A_52 : vector<16xi1>, vector<16xi32>
    %ge3A_54 = arith.cmpi sge, %broadcast_in_dim3A_50, %gather3A_34 : vector<16xi32>
    %jit3A_55 = arith.constant 2 : i32
    %broadcast_in_dim3A_56 = vector.broadcast %jit3A_55 : i32 to vector<16xi32>
    %select_n3A_57 = arith.select %ge3A_54, %broadcast_in_dim3A_56, %select_n3A : vector<16xi1>, vector<16xi32>
    %ge3A_58 = arith.cmpi sge, %broadcast_in_dim3A_50, %gather3A_37 : vector<16xi32>
    %jit3A_59 = arith.constant 3 : i32
    %broadcast_in_dim3A_60 = vector.broadcast %jit3A_59 : i32 to vector<16xi32>
    %select_n3A_61 = arith.select %ge3A_58, %broadcast_in_dim3A_60, %select_n3A_57 : vector<16xi1>, vector<16xi32>
    %ge3A_62 = arith.cmpi sge, %broadcast_in_dim3A_50, %gather3A_40 : vector<16xi32>
    %jit3A_63 = arith.constant 4 : i32
    %broadcast_in_dim3A_64 = vector.broadcast %jit3A_63 : i32 to vector<16xi32>
    %select_n3A_65 = arith.select %ge3A_62, %broadcast_in_dim3A_64, %select_n3A_61 : vector<16xi1>, vector<16xi32>
    %ge3A_66 = arith.cmpi sge, %broadcast_in_dim3A_50, %gather3A_43 : vector<16xi32>
    %jit3A_67 = arith.constant 5 : i32
    %broadcast_in_dim3A_68 = vector.broadcast %jit3A_67 : i32 to vector<16xi32>
    %select_n3A_69 = arith.select %ge3A_66, %broadcast_in_dim3A_68, %select_n3A_65 : vector<16xi1>, vector<16xi32>
    %ge3A_70 = arith.cmpi sge, %broadcast_in_dim3A_50, %gather3A_46 : vector<16xi32>
    %jit3A_71 = arith.constant 6 : i32
    %broadcast_in_dim3A_72 = vector.broadcast %jit3A_71 : i32 to vector<16xi32>
    %select_n3A_73 = arith.select %ge3A_70, %broadcast_in_dim3A_72, %select_n3A_69 : vector<16xi1>, vector<16xi32>
    %ge3A_74 = arith.cmpi sge, %broadcast_in_dim3A_50, %gather3A_49 : vector<16xi32>
    %jit3A_75 = arith.constant 7 : i32
    %broadcast_in_dim3A_76 = vector.broadcast %jit3A_75 : i32 to vector<16xi32>
    %select_n3A_77 = arith.select %ge3A_74, %broadcast_in_dim3A_76, %select_n3A_73 : vector<16xi1>, vector<16xi32>
    %add3A_78 = arith.constant 2047 : i32
    %add3A_79 = arith.addi %mul3A_2, %add3A_78 : i32
    %broadcast_in_dim3A_80 = vector.broadcast %add3A_79 : i32 to vector<16xi32>
    %broadcast_in_dim3A_81 = arith.constant 0 : i32
    %broadcast_in_dim3A_82 = vector.broadcast %broadcast_in_dim3A_81 : i32 to vector<16xi32>
    %ge3A_83 = arith.cmpi sge, %broadcast_in_dim3A_80, %gather3A : vector<16xi32>
    %jit3A_84 = arith.constant 1 : i32
    %broadcast_in_dim3A_85 = vector.broadcast %jit3A_84 : i32 to vector<16xi32>
    %select_n3A_86 = arith.select %ge3A_83, %broadcast_in_dim3A_85, %broadcast_in_dim3A_82 : vector<16xi1>, vector<16xi32>
    %ge3A_87 = arith.cmpi sge, %broadcast_in_dim3A_80, %gather3A_34 : vector<16xi32>
    %jit3A_88 = arith.constant 2 : i32
    %broadcast_in_dim3A_89 = vector.broadcast %jit3A_88 : i32 to vector<16xi32>
    %select_n3A_90 = arith.select %ge3A_87, %broadcast_in_dim3A_89, %select_n3A_86 : vector<16xi1>, vector<16xi32>
    %ge3A_91 = arith.cmpi sge, %broadcast_in_dim3A_80, %gather3A_37 : vector<16xi32>
    %jit3A_92 = arith.constant 3 : i32
    %broadcast_in_dim3A_93 = vector.broadcast %jit3A_92 : i32 to vector<16xi32>
    %select_n3A_94 = arith.select %ge3A_91, %broadcast_in_dim3A_93, %select_n3A_90 : vector<16xi1>, vector<16xi32>
    %ge3A_95 = arith.cmpi sge, %broadcast_in_dim3A_80, %gather3A_40 : vector<16xi32>
    %jit3A_96 = arith.constant 4 : i32
    %broadcast_in_dim3A_97 = vector.broadcast %jit3A_96 : i32 to vector<16xi32>
    %select_n3A_98 = arith.select %ge3A_95, %broadcast_in_dim3A_97, %select_n3A_94 : vector<16xi1>, vector<16xi32>
    %ge3A_99 = arith.cmpi sge, %broadcast_in_dim3A_80, %gather3A_43 : vector<16xi32>
    %jit3A_100 = arith.constant 5 : i32
    %broadcast_in_dim3A_101 = vector.broadcast %jit3A_100 : i32 to vector<16xi32>
    %select_n3A_102 = arith.select %ge3A_99, %broadcast_in_dim3A_101, %select_n3A_98 : vector<16xi1>, vector<16xi32>
    %ge3A_103 = arith.cmpi sge, %broadcast_in_dim3A_80, %gather3A_46 : vector<16xi32>
    %jit3A_104 = arith.constant 6 : i32
    %broadcast_in_dim3A_105 = vector.broadcast %jit3A_104 : i32 to vector<16xi32>
    %select_n3A_106 = arith.select %ge3A_103, %broadcast_in_dim3A_105, %select_n3A_102 : vector<16xi1>, vector<16xi32>
    %ge3A_107 = arith.cmpi sge, %broadcast_in_dim3A_80, %gather3A_49 : vector<16xi32>
    %jit3A_108 = arith.constant 7 : i32
    %broadcast_in_dim3A_109 = vector.broadcast %jit3A_108 : i32 to vector<16xi32>
    %select_n3A_110 = arith.select %ge3A_107, %broadcast_in_dim3A_109, %select_n3A_106 : vector<16xi1>, vector<16xi32>
    %reduce_min3A = arith.constant true
    %reduce_min3A_111 = vector.broadcast %reduce_min3A : i1 to vector<16xi1>
    %reduce_min3A_112 = arith.constant -2147483648 : i32
    %reduce_min3A_113 = vector.broadcast %reduce_min3A_112 : i32 to vector<16xi32>
    %reduce_min3A_114 = arith.xori %select_n3A_77, %reduce_min3A_113 : vector<16xi32>
    %reduce_min3A_115 = tpu.scan <min>, %reduce_min3A_114 masked %reduce_min3A_111 : vector<16xi32>, vector<16xi1> -> vector<16xi32>
    %reduce_min3A_116 = arith.xori %reduce_min3A_115, %reduce_min3A_113 : vector<16xi32>
    %reduce_min3A_117 = vector.extract %reduce_min3A_116[15] : i32 from vector<16xi32>
    %reduce_max3A = arith.constant true
    %reduce_max3A_118 = vector.broadcast %reduce_max3A : i1 to vector<16xi1>
    %reduce_max3A_119 = arith.constant -2147483648 : i32
    %reduce_max3A_120 = vector.broadcast %reduce_max3A_119 : i32 to vector<16xi32>
    %reduce_max3A_121 = arith.xori %select_n3A_110, %reduce_max3A_120 : vector<16xi32>
    %reduce_max3A_122 = tpu.scan <max>, %reduce_max3A_121 masked %reduce_max3A_118 : vector<16xi32>, vector<16xi1> -> vector<16xi32>
    %reduce_max3A_123 = arith.xori %reduce_max3A_122, %reduce_max3A_120 : vector<16xi32>
    %reduce_max3A_124 = vector.extract %reduce_max3A_123[15] : i32 from vector<16xi32>
    %eq3A = arith.cmpi eq, %reduce_min3A_117, %reduce_max3A_124 : i32
    %dma_wait3A_125 = tpu.memref_slice %arg4[%mul3A_2] : memref<32768xi32, #tpu.memory_space<hbm>> -> memref<2048xi32, #tpu.memory_space<hbm>>
    %dma_wait3A_126 = tpu.memref_slice %arg4[%mul3A_2] : memref<32768xi32, #tpu.memory_space<hbm>> -> memref<2048xi32, #tpu.memory_space<hbm>>
    tpu.wait_dma2 semaphore(%arg9 : memref<!tpu.dma_semaphore, #tpu.memory_space<semaphore_mem>>) src(%dma_wait3A_126 : memref<2048xi32, #tpu.memory_space<hbm>>) dst(%arg8 : memref<2048xi32, #tpu.memory_space<vmem>>)
    %convert_element_type3A = arith.extui %eq3A : i1 to i32
    %cond3A = arith.constant 0 : i32
    %cond3A_127 = arith.cmpi ne, %convert_element_type3A, %cond3A : i32
    scf.if %cond3A_127 {
      %gather3A_132 = tpu.vector_load_idx %arg7[%select_n3A_77] : memref<32xi32, #tpu.memory_space<vmem>>[vector<16xi32>], vector<16xi32>,
      %parallel_loop3A = arith.constant 0 : i32
      %parallel_loop3A_133 = arith.constant 2048 : i32
      %parallel_loop3A_134 = arith.constant 16 : i32
      scf.for %parallel_loop3A_135 = %parallel_loop3A to %parallel_loop3A_133 step %parallel_loop3A_134  : i32 {
        %parallel_loop3A_136 = arith.index_cast %parallel_loop3A_135 : i32 to index
        %parallel_loop3A_137 = tpu.vector_load %arg8[%parallel_loop3A_136] {strides = array<i32>} : memref<2048xi32, #tpu.memory_space<vmem>>, vector<16xi32>,
        %parallel_loop3A_138 = arith.addi %parallel_loop3A_137, %gather3A_132 : vector<16xi32>
        %parallel_loop3A_139 = arith.index_cast %parallel_loop3A_135 : i32 to index
        %parallel_loop3A_140 = tpu.vector_load %arg8[%parallel_loop3A_139] {strides = array<i32>} : memref<2048xi32, #tpu.memory_space<vmem>>, vector<16xi32>,
        tpu.vector_store %arg8[%parallel_loop3A_139], %parallel_loop3A_138 {strides = array<i32>} : memref<2048xi32, #tpu.memory_space<vmem>>, vector<16xi32>,
      } {sc.loop_unroll_factor = 8 : i64, sc.parallel_access}
    } else {
    }
    %not3A = arith.constant true
    %not3A_128 = arith.xori %eq3A, %not3A : i1
    %convert_element_type3A_129 = arith.extui %not3A_128 : i1 to i32
    %cond3A_130 = arith.constant 0 : i32
    %cond3A_131 = arith.cmpi ne, %convert_element_type3A_129, %cond3A_130 : i32
    scf.if %cond3A_131 {
      %iota3A = tpu.iota {dimensions = array<i32: 0>} : vector<16xi32>
      %add3A_132 = vector.broadcast %mul3A_2 : i32 to vector<16xi32>
      %add3A_133 = arith.addi %add3A_132, %iota3A : vector<16xi32>
      %parallel_loop3A = arith.constant 0 : i32
      %parallel_loop3A_134 = arith.constant 2048 : i32
      %parallel_loop3A_135 = arith.constant 16 : i32
      scf.for %parallel_loop3A_136 = %parallel_loop3A to %parallel_loop3A_134 step %parallel_loop3A_135  : i32 {
        %parallel_loop3A_137 = vector.broadcast %parallel_loop3A_136 : i32 to vector<16xi32>
        %parallel_loop3A_138 = arith.addi %add3A_133, %parallel_loop3A_137 : vector<16xi32>
        %parallel_loop3A_139 = arith.constant 0 : i32
        %parallel_loop3A_140 = vector.broadcast %parallel_loop3A_139 : i32 to vector<16xi32>
        %parallel_loop3A_141 = arith.cmpi sge, %parallel_loop3A_138, %gather3A : vector<16xi32>
        %parallel_loop3A_142 = arith.constant 1 : i32
        %parallel_loop3A_143 = vector.broadcast %parallel_loop3A_142 : i32 to vector<16xi32>
        %parallel_loop3A_144 = arith.select %parallel_loop3A_141, %parallel_loop3A_143, %parallel_loop3A_140 : vector<16xi1>, vector<16xi32>
        %parallel_loop3A_145 = arith.cmpi sge, %parallel_loop3A_138, %gather3A_34 : vector<16xi32>
        %parallel_loop3A_146 = arith.constant 2 : i32
        %parallel_loop3A_147 = vector.broadcast %parallel_loop3A_146 : i32 to vector<16xi32>
        %parallel_loop3A_148 = arith.select %parallel_loop3A_145, %parallel_loop3A_147, %parallel_loop3A_144 : vector<16xi1>, vector<16xi32>
        %parallel_loop3A_149 = arith.cmpi sge, %parallel_loop3A_138, %gather3A_37 : vector<16xi32>
        %parallel_loop3A_150 = arith.constant 3 : i32
        %parallel_loop3A_151 = vector.broadcast %parallel_loop3A_150 : i32 to vector<16xi32>
        %parallel_loop3A_152 = arith.select %parallel_loop3A_149, %parallel_loop3A_151, %parallel_loop3A_148 : vector<16xi1>, vector<16xi32>
        %parallel_loop3A_153 = arith.cmpi sge, %parallel_loop3A_138, %gather3A_40 : vector<16xi32>
        %parallel_loop3A_154 = arith.constant 4 : i32
        %parallel_loop3A_155 = vector.broadcast %parallel_loop3A_154 : i32 to vector<16xi32>
        %parallel_loop3A_156 = arith.select %parallel_loop3A_153, %parallel_loop3A_155, %parallel_loop3A_152 : vector<16xi1>, vector<16xi32>
        %parallel_loop3A_157 = arith.cmpi sge, %parallel_loop3A_138, %gather3A_43 : vector<16xi32>
        %parallel_loop3A_158 = arith.constant 5 : i32
        %parallel_loop3A_159 = vector.broadcast %parallel_loop3A_158 : i32 to vector<16xi32>
        %parallel_loop3A_160 = arith.select %parallel_loop3A_157, %parallel_loop3A_159, %parallel_loop3A_156 : vector<16xi1>, vector<16xi32>
        %parallel_loop3A_161 = arith.cmpi sge, %parallel_loop3A_138, %gather3A_46 : vector<16xi32>
        %parallel_loop3A_162 = arith.constant 6 : i32
        %parallel_loop3A_163 = vector.broadcast %parallel_loop3A_162 : i32 to vector<16xi32>
        %parallel_loop3A_164 = arith.select %parallel_loop3A_161, %parallel_loop3A_163, %parallel_loop3A_160 : vector<16xi1>, vector<16xi32>
        %parallel_loop3A_165 = arith.cmpi sge, %parallel_loop3A_138, %gather3A_49 : vector<16xi32>
        %parallel_loop3A_166 = arith.constant 7 : i32
        %parallel_loop3A_167 = vector.broadcast %parallel_loop3A_166 : i32 to vector<16xi32>
        %parallel_loop3A_168 = arith.select %parallel_loop3A_165, %parallel_loop3A_167, %parallel_loop3A_164 : vector<16xi1>, vector<16xi32>
        %parallel_loop3A_169 = tpu.vector_load_idx %arg7[%parallel_loop3A_168] : memref<32xi32, #tpu.memory_space<vmem>>[vector<16xi32>], vector<16xi32>,
        %parallel_loop3A_170 = arith.index_cast %parallel_loop3A_136 : i32 to index
        %parallel_loop3A_171 = tpu.vector_load %arg8[%parallel_loop3A_170] {strides = array<i32>} : memref<2048xi32, #tpu.memory_space<vmem>>, vector<16xi32>,
        %parallel_loop3A_172 = arith.addi %parallel_loop3A_171, %parallel_loop3A_169 : vector<16xi32>
        %parallel_loop3A_173 = arith.index_cast %parallel_loop3A_136 : i32 to index
        %parallel_loop3A_174 = tpu.vector_load %arg8[%parallel_loop3A_173] {strides = array<i32>} : memref<2048xi32, #tpu.memory_space<vmem>>, vector<16xi32>,
        tpu.vector_store %arg8[%parallel_loop3A_173], %parallel_loop3A_172 {strides = array<i32>} : memref<2048xi32, #tpu.memory_space<vmem>>, vector<16xi32>,
      } {sc.loop_unroll_factor = 4 : i64, sc.parallel_access}
    } else {
    }
    "tpu.region"() ({
      %run_scoped3A = tpu.sem_alloc : memref<!tpu.dma_semaphore, #tpu.memory_space<semaphore_mem>>
      %dma_start3A_132 = tpu.memref_slice %arg5[%mul3A_2] : memref<32768xi32, #tpu.memory_space<hbm>> -> memref<2048xi32, #tpu.memory_space<hbm>>
      %dma_start3A_133 = tpu.memref_slice %arg5[%mul3A_2] : memref<32768xi32, #tpu.memory_space<hbm>> -> memref<2048xi32, #tpu.memory_space<hbm>>
      tpu.enqueue_dma source(%arg8 : memref<2048xi32, #tpu.memory_space<vmem>>) target(%dma_start3A_133 : memref<2048xi32, #tpu.memory_space<hbm>>) target_semaphore(%run_scoped3A : memref<!tpu.dma_semaphore, #tpu.memory_space<semaphore_mem>>)
      %dma_wait3A_134 = tpu.memref_slice %arg5[%mul3A_2] : memref<32768xi32, #tpu.memory_space<hbm>> -> memref<2048xi32, #tpu.memory_space<hbm>>
      %dma_wait3A_135 = tpu.memref_slice %arg5[%mul3A_2] : memref<32768xi32, #tpu.memory_space<hbm>> -> memref<2048xi32, #tpu.memory_space<hbm>>
      tpu.wait_dma2 semaphore(%run_scoped3A : memref<!tpu.dma_semaphore, #tpu.memory_space<semaphore_mem>>) src(%arg8 : memref<2048xi32, #tpu.memory_space<vmem>>) dst(%dma_wait3A_135 : memref<2048xi32, #tpu.memory_space<hbm>>)
      tpu.yield
    }) : () -> ()
    return
  }
}

</mosaic_0001>

<sc_bundles>
// kernel: kernel.3.cloned.1.call-start
scs
__scs_entry_jumppad:
0x0: {  	(pc) =	sbr.rel $0x88, $3  }
0x1: {  	(tag) =	ssettag $0x0;
	lr =	simm.s32 $0x1  }
0x2: {  	[smem:$0x3F9E] =	sst lr;
	_ =	strace $0xD0000000  }
0x3: {  	_ = 	snop  }
0x4: {  	_ = 	snop  }
0x5: {  	_ = 	snop  }
0x6: {  	_ = 	snop  }
0x7: {  	_ = 	snop  }
__scs_overlays_trampoline_lowered:
0x8: {  	[smem:$0x3FAD] =	sst s0  }
0x9: {  	[smem:$0x3FAE] =	sst s1  }
0xa: {  	[smem:$0x3FAF] =	sst s2  }
0xb: {  	[smem:$0x3FB0] =	sst s3  }
0xc: {  	[smem:$0x3FB1] =	sst s4  }
0xd: {  	[smem:$0x3FB2] =	sst s5  }
0xe: {  	[smem:$0x3FB3] =	sst s6  }
0xf: {  	[smem:$0x3FB4] =	sst s7  }
0x10: {  	[smem:$0x3FB5] =	sst s8  }
0x11: {  	[smem:$0x3FB6] =	sst s9;
	s0 =	simm.s32 @!p0 $0x0  }
0x12: {  	s1 =	sld [smem:$0x3F9C];
	s0 =	simm.s32 @p0 $0x1  }
0x13: {  	[smem:$0x3FB7] =	sst s0;
	s0 =	simm.s32 @!p1 $0x0  }
0x14: {  	s2 =	sld [smem:$0x3F9B];
	s0 =	simm.s32 @p1 $0x1  }
0x15: {  	[smem:$0x3FB8] =	sst s0;
	s0 =	simm.s32 @!p2 $0x0  }
0x16: {  	s3 =	sld [smem:$0x3FDB];
	s0 =	simm.s32 @p2 $0x1  }
0x17: {  	s4 =	simm.s32 $0x1BF5;
	[smem:$0x3FBA] =	sst s0  }
0x18: {  	s0 =	sld [smem:$0x3F9D];
	_ =	swait.ge [sflag:s4], $0x0  }
0x19: {  	s7 =	sld [smem:$0x3F9E]  }
0x1a: {  	s8 =	sadd.s32 $0xFFFFE003, lr  }
0x1b: {  	s9 =	sadd.s32 $0xFFFFFEF7, lr;
	s5 =	simm.s32 $0xFFFFFFFF;
	p2 =	slt.u32 s8, $0xFFFFF086  }
0x1c: {  	p1 =	slt.u32 s9, $0xF7A;
	s5 =	simm.s32 @!p2 $0x0  }
0x1d: {  	s5 =	simm.s32 @p1 $0x1;
	p0 =	seq.s32 s7, s2  }
0x1e: {  	s7 =	smul.u32 @!p0 $0xF7A, s2;
	p2 =	seq.s32 @!p0 s5, $0x0  }
0x1f: {  	s9 =	smul.u32 $0xF7A, s1;
	s8 =	simm.s32 @!p0 $0x1BF5;
	p2 =	por !p2, p0  }
0x20: {  	[sflag:s8] =	ssyncset.s32 @!p0 $0xFFFFF086;
	s6 =	sadd.s32 @!p0 s3, s7;
	s7 =	simm.s32 @!p0 $0x108  }
0x21: {  	s3 =	sadd.s32 s3, s9;
	s6 =	sadd.s32 @!p0 $0x88, s6;
	s7 =	simm.s32 @p2 $0x1082  }
0x22: {  	[simem:s7], [sflag:s8] =	dma.local @!p0 [hbm:s6], $0xF7A  }
0x23: {  	s9 =	sor.u32 $0xD0000000, s2;
	s6 =	simm.s32 $0x108;
	_ =	swait.ge @!p0 [sflag:s8], $0x0  }
0x24: {  	s3 =	sadd.s32 $0x88, s3;
	s6 =	simm.s32 @!p1 $0x1082;
	[sflag:s4] =	ssyncset.s32 $0xFFFFF086  }
0x25: {  	[simem:s6], [sflag:s4] =	dma.local [hbm:s3], $0xF7A  }
0x26: {  	[smem:$0x3F9E] =	sst s1;
	(tag) =	ssettag s2;
	_ =	strace s9  }
0x27: {  	s1 =	sld [smem:$0x3FAE]  }
0x28: {  	s2 =	sld [smem:$0x3FAF]  }
0x29: {  	s4 =	sld [smem:$0x3FB1]  }
0x2a: {  	p0 =	seq.s32 s5, $0x0;
	s5 =	sld [smem:$0x3FB2]  }
0x2b: {  	s6 =	sld [smem:$0x3FB3]  }
0x2c: {  	s7 =	sld [smem:$0x3FB4]  }
0x2d: {  	s3 =	simm.s32 $0x108;
	s8 =	sld [smem:$0x3FB5]  }
0x2e: {  	s3 =	simm.s32 @!p0 $0x1082;
	s9 =	sld [smem:$0x3FB6]  }
0x2f: {  	lr =	sadd.s32 s0, s3;
	s0 =	sld [smem:$0x3FAD]  }
0x30: {  	s3 =	sld [smem:$0x3FB0]  }
0x31: {  	[smem:$0x3FB9] =	sst s10  }
0x32: {  	s10 =	sld [smem:$0x3FB7];
	_ =	sdelay $0x3  }
0x33: {  	p0 =	seq.s32 s10, $0x1;
	s10 =	sld [smem:$0x3FB9];
	_ =	sdelay $0x3  }
0x34: {  	[smem:$0x3FB9] =	sst s10  }
0x35: {  	s10 =	sld [smem:$0x3FB8];
	_ =	sdelay $0x3  }
0x36: {  	p1 =	seq.s32 s10, $0x1;
	s10 =	sld [smem:$0x3FB9];
	_ =	sdelay $0x3  }
0x37: {  	[smem:$0x3FB9] =	sst s10  }
0x38: {  	s10 =	sld [smem:$0x3FBA]  }
0x39: {  	_ = 	snop;
	(pc) =	sbr.ind lr, $3  }
0x3a: {  	_ = 	snop  }
0x3b: {  	_ = 	snop  }
0x3c: {  	p2 =	seq.s32 s10, $0x1;
	s10 =	sld [smem:$0x3FB9]  }
0x3d: {  	_ =	shalt  }
0x3e: {  	_ =	shalt  }
0x3f: {  	_ =	shalt  }
0x40: {  	_ =	shalt  }
0x41: {  	_ =	shalt  }
0x42: {  	_ =	shalt  }
0x43: {  	_ =	shalt  }
0x44: {  	_ =	shalt  }
0x45: {  	_ =	shalt  }
0x46: {  	_ =	shalt  }
0x47: {  	_ =	shalt  }
0x48: {  	_ =	shalt  }
0x49: {  	_ =	shalt  }
0x4a: {  	_ =	shalt  }
0x4b: {  	_ =	shalt  }
0x4c: {  	_ =	shalt  }
0x4d: {  	_ =	shalt  }
0x4e: {  	_ =	shalt  }
0x4f: {  	_ =	shalt  }
0x50: {  	_ =	shalt  }
0x51: {  	_ =	shalt  }
0x52: {  	_ =	shalt  }
0x53: {  	_ =	shalt  }
0x54: {  	_ =	shalt  }
0x55: {  	_ =	shalt  }
0x56: {  	_ =	shalt  }
0x57: {  	_ =	shalt  }
0x58: {  	_ =	shalt  }
0x59: {  	_ =	shalt  }
0x5a: {  	_ =	shalt  }
0x5b: {  	_ =	shalt  }
0x5c: {  	_ =	shalt  }
0x5d: {  	_ =	shalt  }
0x5e: {  	_ =	shalt  }
0x5f: {  	_ =	shalt  }
0x60: {  	_ =	shalt  }
0x61: {  	_ =	shalt  }
0x62: {  	_ =	shalt  }
0x63: {  	_ =	shalt  }
0x64: {  	_ =	shalt  }
0x65: {  	_ =	shalt  }
0x66: {  	_ =	shalt  }
0x67: {  	_ =	shalt  }
0x68: {  	_ =	shalt  }
0x69: {  	_ =	shalt  }
0x6a: {  	_ =	shalt  }
0x6b: {  	_ =	shalt  }
0x6c: {  	_ =	shalt  }
0x6d: {  	_ =	shalt  }
0x6e: {  	_ =	shalt  }
0x6f: {  	_ =	shalt  }
0x70: {  	_ =	shalt  }
0x71: {  	_ =	shalt  }
0x72: {  	_ =	shalt  }
0x73: {  	_ =	shalt  }
0x74: {  	_ =	shalt  }
0x75: {  	_ =	shalt  }
0x76: {  	_ =	shalt  }
0x77: {  	_ =	shalt  }
0x78: {  	_ =	shalt  }
0x79: {  	_ =	shalt  }
0x7a: {  	_ =	shalt  }
0x7b: {  	_ =	shalt  }
0x7c: {  	_ =	shalt  }
0x7d: {  	_ =	shalt  }
0x7e: {  	_ =	shalt  }
0x7f: {  	_ =	shalt  }
0x80: {  	_ =	shalt  }
0x81: {  	_ =	shalt  }
0x82: {  	_ =	shalt  }
0x83: {  	_ =	shalt  }
0x84: {  	_ =	shalt  }
0x85: {  	_ =	shalt  }
0x86: {  	_ =	shalt  }
0x87: {  	_ =	shalt  }
.Lfunc_end0:
.L_simem_size_0:
called_computation_lowered:
.L_overlay_start_0:
0x88: {  	s0 =	sld [smem:$0x3FD9]  }
0x89: {  	s1 =	sld [smem:$0x3FFE];
	_ =	sdelay $0x3  }
0x8a: {  	s0 =	sadd.s32 s1, s0  }
0x8b: {  	[smem:$0x3FC5] =	sst s0  }
0x8c: {  	_ = 	snop  }
0x8d: {  	s0 =	sld [smem:$0x3FC9]  }
0x8e: {  	s17 =	sld [smem:$0x3FC8]  }
0x8f: {  	s2 =	sld [smem:$0x3FC7]  }
0x90: {  	s3 =	sld [smem:$0x3FD0];
	(tm) =	ssettm $0x1  }
0x91: {  	s4 =	sld [smem:$0x3FFB];
	_ =	sdelay $0x3  }
0x92: {  	_ =	strace s4  }
0x93: {  	s4 =	sld [smem:$0x3FFC];
	_ =	sdelay $0x3  }
0x94: {  	_ =	strace s4  }
0x95: {  	s4 =	sld [smem:$0x3FFD];
	_ =	sdelay $0x3  }
0x96: {  	_ =	strace s4  }
0x97: {  	_ =	strace $0x8FFFFFFF  }
0x98: {  	s18 =	sld [smem:$0x3FDB];
	_ =	sdelay $0x1  }
0x99: {  	s5 =	simm.s32 $_scs_section_size  }
0x9a: {  	s6 =	simm.s32 $_size__tile_overlayer_lowered;
	s7 =	simm.s32 $_tile_overlayer_lowered  }
0x9b: {  	s21 =	simm.s32 $0x1BFF;
	s20 =	sshll.u32 s7, $0x1;
	s4 =	sadd.s32 s5, s18  }
0x9c: {  	s8 =	simm.s32 $0x0;
	s19 =	sshll.u32 s6, $0x1;
	s6 =	sadd.s32 s20, s4  }
0x9d: {  	[timem:s8], [sflag:s21] =	dma.local [hbm:s6], s19  }
0x9e: {  	_ =	swait.ge [sflag:s21], s19  }
0x9f: {  	s5 =	ssub.s32 $0x0, s19;
	[sflag:s21] =	ssyncset.done $0x0  }
0xa0: {  	[sflag:s21] =	ssyncadd.s32 s5;
	_ =	sdelay $0x1  }
0xa1: {  	s22 =	simm.s32 $0x1B8B  }
0xa2: {  	_ =	swait.ge [sflag:s22], $0x1  }
0xa3: {  	[sflag:s22] =	ssyncset.done $0x0  }
0xa4: {  	s23 =	simm.s32 $0x1B8E;
	[sflag:s22] =	ssyncadd.s32 $0xFFFFFFFF  }
0xa5: {  	s24 =	simm.s32 $execute0_lowered;
	[smem:$0x3FD2] =	sst s23  }
0xa6: {  	s5 =	sshll.u32 s24, $0x1;
	_ =	strace $0x80000046;
	[dreg:$0x1] =	wrdreg $0xFFFFFFFF  }
0xa7: {  	s25 =	simm.s32 $_size_execute0_lowered;
	s4 =	sadd.s32 s4, s5;
	[dreg:$0x0] =	wrdreg $0x0  }
0xa8: {  	s5 =	sshll.u32 s25, $0x1;
	[dreg:$0x2] =	wrdreg s4  }
0xa9: {  	[dreg:$0x3] =	wrdreg s5  }
0xaa: {  	[dreg:$0x4] =	wrdreg $0xC0  }
0xab: {  	_ =	task [dreg:s8], $0x5FFFF  }
0xac: {  	[dreg:$0x1] =	wrdreg $0xFFFFFFFF  }
0xad: {  	[dreg:$0x0] =	wrdreg $0x60  }
0xae: {  	[dreg:$0x2] =	wrdreg s0  }
0xaf: {  	[dreg:$0x3] =	wrdreg s2  }
0xb0: {  	[dreg:$0x4] =	wrdreg s17  }
0xb1: {  	[dreg:$0x5] =	wrdreg s3  }
0xb2: {  	[dreg:$0x6] =	wrdreg $0x9  }
0xb3: {  	_ =	task.clear_ibuf [dreg:s8], $0x7FFFF;
	_ =	strace $0x90000046  }
0xb4: {  	s26 =	simm.s32 $0x9;
	_ =	strace $0x80000048  }
0xb5: {  	_ =	swait.ge [sflag:s26], $0x1  }
0xb6: {  	[sflag:s26] =	ssyncadd.s32 $0xFFFFFFFF  }
0xb7: {  	_ =	strace $0x90000048  }
0xb8: {  	_ =	sfence  }
0xb9: {  	s28 =	sld [smem:$0x0];
	_ =	sdelay $0x1  }
0xba: {  	s29 =	srdreg.scid  }
0xbb: {  	s30 =	sshll.u32 s29, $0xD;
	s31 =	sshrl.u32 s29, $0x2  }
0xbc: {  	s1 =	sand.u32 $0x1, s29;
	s2 =	sand.u32 $0x4000, s30;
	s0 =	sadd.s32 s31, s28  }
0xbd: {  	s1 =	sor.u32 s2, s1;
	s0 =	sshll.u32 s0, $0x11  }
0xbe: {  	s0 =	sor.u32 s0, s1  }
0xbf: {  	s0 =	sadd.s32 $0x8F2B, s0  }
0xc0: {  	[sflag:s0] =	ssyncadd.remote.s32 $0x1  }
0xc1: {  	_ =	sfence.sel $0xFFFF  }
0xc2: {  	[dreg:$0x0] =	wrdreg $0xFFFFFFFF;
	(pc) =	sbr.abs _section_cstart, $3  }
0xc3: {  	[dreg:$0x1] =	wrdreg $0xFFFFFFFF  }
0xc4: {  	_ =	task.clear_ibuf [dreg:s8], $0x2FFFF;
	_ =	strace $0x9FFFFFFF  }
0xc5: {  	(tm) =	ssettm $0x7FFFFFFF  }
tec
execute0_lowered:
.L_overlay_start_1:
0x0: {  	(tag) =	ssettag $0x1  }
0x1: {  	s3 =	rddreg [dreg:$0x0]  }
0x2: {  	s6 =	rddreg [dreg:$0x1]  }
0x3: {  	s7 =	rddreg [dreg:$0x2]  }
0x4: {  	s2 =	rddreg [dreg:$0x3]  }
0x5: {  	s0 =	rddreg [dreg:$0x4];
	s5 =	simm.s32 $0x0;
	s1 =	stileid.u32  }
0x6: {  	[smem:$0x7FF] =	sst s5;
	s4 =	sshll.u32 s1, $0x8  }
0x7: {  	s8 =	simm.s32 $0x100;
	_ =	strace $0x80000047;
	s7 =	sadd.s32 s7, s4  }
0x8: {  	[tilespmem:s8], [sflag:$0x1] =	stream.linear.gather [hbm4b:s7+s5], $0x800, $0x38;
	[tilespmem:$0x900] =	vst v63  }
0x9: {  	_ = 	snop  }
0xa: {  	[tilespmem:s5], [sflag:$0x2] =	stream.linear.gather [hbm4b:s3+s5], $0x8, $0x38;
	[tilespmem:$0x900] =	vst v63  }
0xb: {  	s26 =	simm.s32 $0x10;
	s28 =	simm.s32 $0x2  }
0xc: {  	[tilespmem:s26], [sflag:$0x2] =	stream.linear.gather [hbm4b:s6+s5], $0x8, $0x38;
	[tilespmem:$0x900] =	vst v63  }
0xd: {  	_ =	swait.ge [sflag:s28], $0x8  }
0xe: {  	[sflag:s28] =	ssyncset.done $0x0  }
0xf: {  	[sflag:s28] =	ssyncadd.s32 $0xFFFFFFF8  }
0x10: {  	_ =	swait.ge [sflag:s28], $0x8  }
0x11: {  	[sflag:s28] =	ssyncset.done $0x0  }
0x12: {  	[sflag:s28] =	ssyncadd.s32 $0xFFFFFFF8  }
0x13: {  	v0 =	vld [tilespmem:$0x0]  }
0x14: {  	v1 =	vld [tilespmem:$0x10];
	_ =	sdelay $0x3  }
0x15: {  	(xrf0) =	vadd.scan.msk.s32 $0xffff, v0  }
0x16: {  	(xrf0) =	vadd.scan.msk.s32 $0xffff, v1;
	_ =	sdelay $0x3  }
0x17: {  	v2 =	vimm.s32 $0x11  }
0x18: {  	v4 =	vimm.s32 $0x12;
	v3, _, _ =	vpop (xrf0)  }
0x19: {  	v7 =	vimm.s32 $0x13;
	v0 =	vsub.s32 v3, v0;
	v3, _, _ =	vpop (xrf0)  }
0x1a: {  	[tilespmem:$0x80] =	vst v0;
	v0 =	vsub.s32 v3, v1;
	v1 =	vimm.s32 $0x14  }
0x1b: {  	v8 =	vimm.s32 $0x16;
	s3 =	simm.s32 $0x80;
	[tilespmem:$0x90] =	vst v0  }
0x1c: {  	v0 =	vimm.s32 $0x15;
	v6 =	vld.idx.msk [tilespmem:v2+s3+$0x0], $0xffff  }
0x1d: {  	v9 =	vimm.s32 $0x17;
	v5 =	vld.idx.msk [tilespmem:v4+s3+$0x0], $0xffff  }
0x1e: {  	v4 =	vld.idx.msk [tilespmem:v7+s3+$0x0], $0xffff  }
0x1f: {  	v3 =	vld.idx.msk [tilespmem:v1+s3+$0x0], $0xffff  }
0x20: {  	v1 =	vld.idx.msk [tilespmem:v8+s3+$0x0], $0xffff  }
0x21: {  	v2 =	vld.idx.msk [tilespmem:v0+s3+$0x0], $0xffff  }
0x22: {  	s29 =	sshllo.u32 s1, $0xB;
	s6 =	sshll.u32 s1, $0xB;
	v0 =	vld.idx.msk [tilespmem:v9+s3+$0x0], $0xffff  }
0x23: {  	v10 =	vmov s29;
	v8 =	vmov s6  }
0x24: {  	v7 =	vimm.s32 $0x0;
	vm0 =	vge.s32 v8, v6;
	vm8 =	vlt.s32 v8, v5  }
0x25: {  	vm9 =	vlt.s32 v8, v4;
	vm3 =	vge.s32 v10, v6;
	v9 =	vsel vm0, $0x1, v7  }
0x26: {  	v9 =	vnsel vm8, $0x2, v9;
	vm1 =	vlt.s32 v8, v3;
	vm4 =	vlt.s32 v8, v1  }
0x27: {  	vm2 =	vlt.s32 v8, v2;
	vm5 =	vlt.s32 v8, v0;
	v8 =	vsel vm3, $0x1, v7  }
0x28: {  	vm10 =	vlt.s32 v10, v5;
	v9 =	vnsel vm9, $0x3, v9;
	v8 =	vor.u32 $0x80000000, v8  }
0x29: {  	vm11 =	vlt.s32 v10, v4;
	v9 =	vnsel vm1, $0x4, v9;
	v8 =	vnsel vm10, $0x80000002, v8  }
0x2a: {  	vm12 =	vlt.s32 v10, v3;
	v9 =	vnsel vm2, $0x5, v9;
	v8 =	vnsel vm11, $0x80000003, v8  }
0x2b: {  	vm13 =	vlt.s32 v10, v2;
	v9 =	vnsel vm4, $0x6, v9;
	v11 =	vnsel vm12, $0x80000004, v8  }
0x2c: {  	vm14 =	vlt.s32 v10, v1;
	v8 =	vnsel vm5, $0x7, v9;
	v9 =	vnsel vm13, $0x80000005, v11  }
0x2d: {  	vm15 =	vlt.s32 v10, v0;
	v10 =	vxor.u32 $0x80000000, v8;
	v9 =	vnsel vm14, $0x80000006, v9  }
0x2e: {  	(xrf0) =	vmin.scan.msk.u32 $0xffff, v10;
	v9 =	vnsel vm15, $0x80000007, v9  }
0x2f: {  	(xrf0) =	vmax.scan.msk.u32 $0xffff, v9;
	_ =	sdelay $0x4  }
0x30: {  	v9, _, _ =	vpop (xrf0)  }
0x31: {  	(v2sf) =	vpush v9, $0xF;
	v9, _, _ =	vpop (xrf0)  }
0x32: {  	(v2sf) =	vpush v9, $0xF;
	_ =	sdelay $0xd  }
0x33: {  	s30 =	spop (v2sf)  }
0x34: {  	s31 =	spop (v2sf)  }
0x35: {  	p0 =	seq.s32 s30, s31  }
.Ltmp0:
0x36: {  	_ = 	snop;
	(pc) =	sbr.rel @!p0 .LBB2_1-.Ltmp0, $4  }
0x37: {  	s9 =	simm.s32 $0x1  }
0x38: {  	_ =	swait.ge [sflag:s9], $0x800  }
0x39: {  	[sflag:s9] =	ssyncset.done $0x0  }
0x3a: {  	s2 =	sadd.s32 s2, s4;
	[sflag:s9] =	ssyncadd.s32 $0xFFFFF800  }
0x3b: {  	_ =	sdelay $0x3  }
0x3c: {  	v0 =	vld.idx.msk [tilespmem:v8+s3+$0x0], $0xffff;
	s3 =	simm.s32 $0x140  }
0x3d: {  	v4 =	vld [tilespmem:s3+$0x30]  }
0x3e: {  	v5 =	vld [tilespmem:s3+$0xFFFFFFD0]  }
0x3f: {  	v6 =	vld [tilespmem:s3+$0xFFFFFFE0]  }
0x40: {  	v3 =	vld [tilespmem:s3+$0xFFFFFFF0]  }
0x41: {  	v2 =	vld [tilespmem:s3+$0x0]  }
0x42: {  	v1 =	vld [tilespmem:s3+$0x10];
	v7 =	vadd.s32 v0, v4  }
0x43: {  	v8 =	vadd.s32 v0, v5;
	v4 =	vld [tilespmem:s3+$0x20];
	[tilespmem:s3+$0x30] =	vst v7  }
0x44: {  	s4 =	simm.s32 $0x0;
	s5 =	simm.s32 $0x1C0;
	v5 =	vld [tilespmem:s3+$0xFFFFFFC0];
	v6 =	vadd.s32 v0, v6;
	[tilespmem:s3+$0xFFFFFFD0] =	vst v8  }
.LBB2_5:
0x45: {  	v7 =	vld [tilespmem:s5+$0x30];
	s4 =	sadd.s32 $0x80, s4;
	[tilespmem:s3+$0xFFFFFFE0] =	vst v6;
	v3 =	vadd.s32 v0, v3  }
0x46: {  	v6 =	vld [tilespmem:s5+$0xFFFFFFD0];
	p0 =	slt.u32 s4, $0x780;
	[tilespmem:s3+$0xFFFFFFF0] =	vst v3;
	v2 =	vadd.s32 v0, v2  }
0x47: {  	v8 =	vld [tilespmem:s5+$0xFFFFFFE0];
	[tilespmem:s3+$0x0] =	vst v2;
	v1 =	vadd.s32 v0, v1  }
.Ltmp1:
0x48: {  	v3 =	vld [tilespmem:s5+$0xFFFFFFF0];
	[tilespmem:s3+$0x10] =	vst v1;
	v1 =	vadd.s32 v0, v4;
	(pc) =	sbr.rel @p0 .LBB2_5-.Ltmp1, $4  }
0x49: {  	v2 =	vld [tilespmem:s5+$0x0];
	v4 =	vadd.s32 v0, v5;
	[tilespmem:s3+$0x20] =	vst v1  }
0x4a: {  	v1 =	vld [tilespmem:s5+$0x10];
	v5 =	vadd.s32 v0, v7;
	[tilespmem:s3+$0xFFFFFFC0] =	vst v4;
	s3 =	smov.u32 s5  }
0x4b: {  	v6 =	vadd.s32 v0, v6;
	v4 =	vld [tilespmem:s5+$0x20];
	[tilespmem:s5+$0x30] =	vst v5  }
0x4c: {  	s5 =	sadd.s32 $0x80, s5;
	v5 =	vld [tilespmem:s3+$0xFFFFFFC0];
	[tilespmem:s3+$0xFFFFFFD0] =	vst v6;
	v6 =	vadd.s32 v0, v8  }
0x4d: {  	[tilespmem:s3+$0xFFFFFFE0] =	vst v6;
	v3 =	vadd.s32 v0, v3  }
.Ltmp2:
0x4e: {  	[tilespmem:s3+$0xFFFFFFF0] =	vst v3;
	v2 =	vadd.s32 v0, v2;
	(pc) =	sbr.rel .LBB2_7-.Ltmp2, $4  }
0x4f: {  	[tilespmem:s3+$0x0] =	vst v2;
	v1 =	vadd.s32 v0, v1  }
0x50: {  	[tilespmem:s3+$0x10] =	vst v1;
	v62 =	vadd.s32 v0, v4  }
0x51: {  	v63 =	vadd.s32 v0, v5;
	[tilespmem:s3+$0x20] =	vst v62  }
0x52: {  	[tilespmem:s3+$0xFFFFFFC0] =	vst v63  }
.LBB2_1:
0x53: {  	v8 =	vlaneseq.u32  }
0x54: {  	s25 =	simm.s32 $0x10;
	s30 =	simm.s32 $0x50;
	v8 =	vor.u32 s6, v8  }
0x55: {  	s31 =	simm.s32 $0x60;
	v9 =	vor.u32 s5, v8;
	v10 =	vor.u32 s25, v8;
	v14 =	vor.u32 s30, v8  }
0x56: {  	v15 =	vor.u32 s31, v8;
	vm3 =	vlt.s32 v9, v1;
	vm1 =	vlt.s32 v9, v0  }
0x57: {  	s26 =	simm.s32 $0x20;
	vm4 =	vlt.s32 v9, v4;
	vm5 =	vlt.s32 v9, v3;
	vm6 =	vlt.s32 v9, v2  }
0x58: {  	vm7 =	vlt.s32 v9, v5;
	vm0 =	vge.s32 v9, v6;
	v9 =	vor.u32 s26, v8  }
0x59: {  	vm2 =	vlt.s32 v10, v0;
	vm8 =	vge.s32 v10, v6;
	vm9 =	vlt.s32 v15, v3  }
0x5a: {  	v11 =	vsel vm0, $0x1, v7;
	vm0 =	vlt.s32 v9, v0;
	v12 =	vsel vm8, $0x1, v7  }
0x5b: {  	vm8 =	vlt.s32 v10, v5;
	v11 =	vnsel vm7, $0x2, v11;
	vm7 =	vlt.s32 v10, v2  }
0x5c: {  	v12 =	vnsel vm8, $0x2, v12;
	v11 =	vnsel vm4, $0x3, v11;
	vm4 =	vge.s32 v9, v6  }
0x5d: {  	vm8 =	vlt.s32 v10, v1;
	v13 =	vsel vm4, $0x1, v7;
	vm4 =	vlt.s32 v9, v5  }
0x5e: {  	v11 =	vnsel vm5, $0x4, v11;
	vm5 =	vlt.s32 v10, v4;
	v13 =	vnsel vm4, $0x2, v13  }
0x5f: {  	vm4 =	vlt.s32 v9, v1;
	v12 =	vnsel vm5, $0x3, v12;
	vm5 =	vlt.s32 v9, v4  }
0x60: {  	s28 =	simm.s32 $0x30;
	v13 =	vnsel vm5, $0x3, v13;
	vm5 =	vlt.s32 v10, v3;
	v10 =	vnsel vm6, $0x5, v11  }
0x61: {  	vm6 =	vlt.s32 v9, v3;
	v11 =	vnsel vm5, $0x4, v12;
	v12 =	vor.u32 s28, v8  }
0x62: {  	vm5 =	vlt.s32 v9, v2;
	v9 =	vnsel vm6, $0x4, v13;
	v10 =	vnsel vm3, $0x6, v10  }
0x63: {  	vm6 =	vge.s32 v12, v6;
	vm3 =	vlt.s32 v12, v5;
	v11 =	vnsel vm7, $0x5, v11  }
0x64: {  	v9 =	vnsel vm5, $0x5, v9;
	v10 =	vnsel vm1, $0x7, v10;
	v13 =	vsel vm6, $0x1, v7  }
0x65: {  	vm1 =	vlt.s32 v12, v2;
	v13 =	vnsel vm3, $0x2, v13;
	vm3 =	vlt.s32 v12, v4  }
0x66: {  	v11 =	vnsel vm8, $0x6, v11;
	v13 =	vnsel vm3, $0x3, v13;
	vm3 =	vlt.s32 v12, v3  }
0x67: {  	v9 =	vnsel vm4, $0x6, v9;
	v11 =	vnsel vm2, $0x7, v11;
	v13 =	vnsel vm3, $0x4, v13  }
0x68: {  	v9 =	vnsel vm0, $0x7, v9;
	v13 =	vnsel vm1, $0x5, v13;
	vm1 =	vlt.s32 v12, v1  }
0x69: {  	s4 =	simm.s32 $0x120;
	vm0 =	vge.s32 v14, v6;
	v13 =	vnsel vm1, $0x6, v13;
	vm1 =	vlt.s32 v12, v0  }
0x6a: {  	s29 =	simm.s32 $0x40;
	v18 =	vld [tilespmem:s4+$0xFFFFFFE0];
	v17 =	vsel vm0, $0x1, v7;
	vm0 =	vlt.s32 v14, v5;
	v13 =	vnsel vm1, $0x7, v13  }
0x6b: {  	vm8 =	vlt.s32 v14, v0;
	v17 =	vnsel vm0, $0x2, v17;
	v10 =	vld.idx.msk [tilespmem:v10+s3+$0x0], $0xffff;
	v12 =	vor.u32 s29, v8  }
0x6c: {  	v16 =	vld [tilespmem:s4+$0x10];
	vm0 =	vlt.s32 v14, v3;
	vm2 =	vlt.s32 v12, v1;
	vm10 =	vlt.s32 v12, v0  }
0x6d: {  	v20 =	vld [tilespmem:s4+$0xFFFFFFF0];
	vm3 =	vlt.s32 v12, v4;
	vm5 =	vlt.s32 v12, v3;
	vm6 =	vge.s32 v12, v6  }
0x6e: {  	vm7 =	vlt.s32 v12, v2;
	vm4 =	vlt.s32 v12, v5;
	v11 =	vld.idx.msk [tilespmem:v11+s3+$0x0], $0xffff;
	v12 =	vsel vm6, $0x1, v7  }
0x6f: {  	vm6 =	vlt.s32 v14, v2;
	v12 =	vnsel vm4, $0x2, v12;
	vm4 =	vlt.s32 v14, v1;
	v13 =	vld.idx.msk [tilespmem:v13+s3+$0x0], $0xffff  }
0x70: {  	v12 =	vnsel vm3, $0x3, v12;
	vm3 =	vge.s32 v15, v6;
	v63 =	vadd.s32 v10, v18  }
0x71: {  	v19 =	vsel vm3, $0x1, v7;
	vm3 =	vlt.s32 v15, v5;
	v21 =	vnsel vm5, $0x4, v12  }
0x72: {  	vm5 =	vlt.s32 v14, v4;
	v12 =	vnsel vm3, $0x2, v19;
	vm3 =	vlt.s32 v15, v0  }
0x73: {  	v14 =	vnsel vm5, $0x3, v17;
	vm5 =	vlt.s32 v15, v4;
	v11 =	vadd.s32 v11, v20  }
0x74: {  	v9 =	vld.idx.msk [tilespmem:v9+s3+$0x0], $0xffff;
	[tilespmem:s4+$0xFFFFFFE0] =	vst v63;
	v12 =	vnsel vm5, $0x3, v12;
	vm5 =	vlt.s32 v15, v1;
	v16 =	vadd.s32 v13, v16  }
0x75: {  	s6 =	simm.s32 $0x70;
	s5 =	simm.s32 $0x80;
	v10 =	vld [tilespmem:s4+$0x0];
	v14 =	vnsel vm0, $0x4, v14;
	v13 =	vnsel vm7, $0x5, v21;
	vm7 =	vlt.s32 v15, v2;
	[tilespmem:s4+$0x10] =	vst v16  }
.LBB2_2:
0x76: {  	_ =	sdelay $0x2  }
0x77: {  	v12 =	vnsel vm9, $0x4, v12;
	v15 =	vor.u32 s6, v8  }
0x78: {  	v9 =	vadd.s32 v9, v10;
	v10 =	vnsel vm2, $0x6, v13;
	vm2 =	vge.s32 v15, v6  }
0x79: {  	[tilespmem:s4+$0x0] =	vst v9;
	v9 =	vnsel vm7, $0x5, v12;
	v12 =	vsel vm2, $0x1, v7;
	vm2 =	vlt.s32 v15, v5  }
0x7a: {  	vm0 =	vlt.s32 v15, v4;
	v12 =	vnsel vm2, $0x2, v12  }
0x7b: {  	[tilespmem:s4+$0xFFFFFFF0] =	vst v11;
	v11 =	vnsel vm6, $0x5, v14;
	v12 =	vnsel vm0, $0x3, v12;
	vm0 =	vlt.s32 v15, v3  }
0x7c: {  	v11 =	vnsel vm4, $0x6, v11;
	v12 =	vnsel vm0, $0x4, v12;
	vm0 =	vlt.s32 v15, v2  }
0x7d: {  	v11 =	vnsel vm8, $0x7, v11;
	v12 =	vnsel vm0, $0x5, v12;
	vm0 =	vlt.s32 v15, v1  }
0x7e: {  	v12 =	vnsel vm0, $0x6, v12;
	vm0 =	vlt.s32 v15, v0  }
0x7f: {  	v13 =	vor.u32 s5, v8;
	v12 =	vnsel vm0, $0x7, v12  }
0x80: {  	v14 =	vimm.s32 $0x0;
	v10 =	vnsel vm10, $0x7, v10;
	s4 =	sadd.s32 $0x40, s4;
	vm0 =	vlt.s32 v13, v1  }
0x81: {  	vm10 =	vlt.s32 v13, v0;
	vm11 =	vlt.s32 v13, v4;
	v18 =	vld [tilespmem:s4+$0xFFFFFFF0];
	v14 =	vsel vm0, $0xFFFFFFFF, v14  }
0x82: {  	vm13 =	vlt.s32 v13, v5;
	v11 =	vld.idx.msk [tilespmem:v11+s3+$0x0], $0xffff;
	vm0 =	vlt.s32 v13, v3;
	[tilespmem:$0x1FFE0] =	vst v14;
	v14 =	vimm.s32 $0x0  }
0x83: {  	vm14 =	vge.s32 v13, v6;
	v14 =	vsel vm0, $0xFFFFFFFF, v14;
	vm0 =	vlt.s32 v13, v2;
	v13 =	vld [tilespmem:s4+$0x10]  }
0x84: {  	s7 =	sadd.s32 $0x20, s5;
	v9 =	vnsel vm5, $0x6, v9;
	v16 =	vsel vm14, $0x1, v7;
	v12 =	vld.idx.msk [tilespmem:v12+s3+$0x0], $0xffff  }
0x85: {  	v9 =	vnsel vm3, $0x7, v9;
	v16 =	vnsel vm13, $0x2, v16;
	v15 =	vor.u32 s7, v8  }
0x86: {  	v17 =	vld [tilespmem:s4+$0xFFFFFFE0];
	vm3 =	vlt.s32 v15, v0;
	vm5 =	vlt.s32 v15, v1;
	[tilespmem:$0x1FFD0] =	vst v14;
	v14 =	vimm.s32 $0x0  }
0x87: {  	s31 =	sadd.s32 $0x10, s5;
	vm9 =	vlt.s32 v15, v3;
	vm7 =	vlt.s32 v15, v2;
	v14 =	vsel vm0, $0xFFFFFFFF, v14;
	v20 =	vld [tilespmem:$0x1FFD0]  }
0x88: {  	vm15 =	vlt.s32 v15, v4;
	vm2 =	vlt.s32 v15, v5;
	[tilespmem:$0x1FFF0] =	vst v14;
	v14 =	vld.idx.msk [tilespmem:v10+s3+$0x0], $0xffff;
	v10 =	vor.u32 s31, v8  }
0x89: {  	v11 =	vadd.s32 v11, v18;
	v63 =	vld [tilespmem:$0x1FFE0];
	vm8 =	vlt.s32 v10, v0;
	v13 =	vadd.s32 v12, v13  }
0x8a: {  	vm6 =	vlt.s32 v10, v2;
	vm4 =	vlt.s32 v10, v1;
	vm12 =	vlt.s32 v10, v3;
	[tilespmem:s4+$0x10] =	vst v13;
	v13 =	vld [tilespmem:$0x1FFF0]  }
0x8b: {  	p0 =	slt.u32 s5, $0x7C0;
	vm14 =	vlt.s32 v10, v4;
	vm0 =	vge.s32 v10, v6;
	vm1 =	vlt.s32 v10, v5  }
.Ltmp3:
0x8c: {  	v19 =	vsel vm0, $0x1, v7;
	vm0 =	vge.s32 v15, v6;
	v15 =	vnsel vm11, $0x3, v16;
	(pc) =	sbr.rel @p0 .LBB2_2-.Ltmp3, $4  }
0x8d: {  	v61 =	vnsel vm1, $0x2, v19;
	v62 =	vsel vm0, $0x1, v7;
	vm0 =	vnez.u8 v20  }
0x8e: {  	v19 =	vnsel vm2, $0x2, v62;
	vm2 =	vnez.u8 v63;
	v16 =	vnsel vm14, $0x3, v61  }
0x8f: {  	v9 =	vld.idx.msk [tilespmem:v9+s3+$0x0], $0xffff;
	v15 =	vnsel vm0, $0x4, v15;
	v17 =	vadd.s32 v14, v17;
	vm0 =	vnez.u8 v13  }
0x90: {  	s6 =	sadd.s32 $0x30, s5;
	s5 =	sadd.s32 $0x40, s5;
	v10 =	vld [tilespmem:s4+$0x0];
	v12 =	vnsel vm15, $0x3, v19;
	v14 =	vnsel vm12, $0x4, v16;
	[tilespmem:s4+$0xFFFFFFE0] =	vst v17;
	v13 =	vnsel vm0, $0x5, v15  }
0x91: {  	v12 =	vnsel vm9, $0x4, v12;
	v8 =	vor.u32 s6, v8  }
0x92: {  	v13 =	vnsel vm2, $0x6, v13;
	v14 =	vnsel vm6, $0x5, v14;
	vm0 =	vge.s32 v8, v6  }
0x93: {  	v47 =	vnsel vm7, $0x5, v12;
	vm9 =	vlt.s32 v8, v5;
	v7 =	vsel vm0, $0x1, v7  }
0x94: {  	v48 =	vnsel vm10, $0x7, v13;
	vm11 =	vlt.s32 v8, v4;
	v7 =	vnsel vm9, $0x2, v7  }
0x95: {  	v49 =	vnsel vm4, $0x6, v14;
	vm12 =	vlt.s32 v8, v3;
	v7 =	vnsel vm11, $0x3, v7  }
0x96: {  	s31 =	sadd.s32 $0x40, s4;
	vm13 =	vlt.s32 v8, v2;
	vm14 =	vlt.s32 v8, v1;
	v51 =	vnsel vm12, $0x4, v7  }
0x97: {  	v57 =	vld [tilespmem:s31+$0x10];
	v50 =	vnsel vm5, $0x6, v47;
	v52 =	vnsel vm8, $0x7, v49;
	v53 =	vnsel vm13, $0x5, v51  }
0x98: {  	vm15 =	vlt.s32 v8, v0;
	v58 =	vld [tilespmem:s31+$0xFFFFFFE0];
	v54 =	vnsel vm3, $0x7, v50;
	v55 =	vnsel vm14, $0x6, v53  }
0x99: {  	v59 =	vld [tilespmem:s31+$0xFFFFFFF0];
	v0 =	vnsel vm15, $0x7, v55  }
0x9a: {  	v60 =	vld [tilespmem:s31+$0x0]  }
0x9b: {  	v56 =	vld.idx.msk [tilespmem:v48+s3+$0x0], $0xffff  }
0x9c: {  	v2 =	vld.idx.msk [tilespmem:v52+s3+$0x0], $0xffff  }
0x9d: {  	v1 =	vld.idx.msk [tilespmem:v54+s3+$0x0], $0xffff  }
0x9e: {  	v0 =	vld.idx.msk [tilespmem:v0+s3+$0x0], $0xffff  }
0x9f: {  	[tilespmem:s4+$0xFFFFFFF0] =	vst v11;
	v61 =	vadd.s32 v9, v10  }
0xa0: {  	[tilespmem:s4+$0x0] =	vst v61;
	v3 =	vadd.s32 v56, v58  }
0xa1: {  	[tilespmem:s31+$0xFFFFFFE0] =	vst v3;
	v62 =	vadd.s32 v2, v59  }
0xa2: {  	[tilespmem:s31+$0xFFFFFFF0] =	vst v62;
	v63 =	vadd.s32 v1, v60  }
0xa3: {  	[tilespmem:s31+$0x0] =	vst v63;
	v0 =	vadd.s32 v0, v57  }
0xa4: {  	[tilespmem:s31+$0x10] =	vst v0  }
.LBB2_7:
0xa5: {  	s3 =	simm.s32 $0x0;
	s4 =	simm.s32 $0x100;
	s31 =	simm.s32 $0x3  }
0xa6: {  	[hbm4b:s2+s3] =	stream.linear.scatter [tilespmem:s4], [sflag:$0x3], $0x800, $0x38;
	[tilespmem:$0x900] =	vst v63  }
0xa7: {  	_ =	swait.ge [sflag:s31], $0x800  }
0xa8: {  	[sflag:s31] =	ssyncset.done $0x0  }
0xa9: {  	[sflag:s31] =	ssyncadd.s32 $0xFFFFF800  }
0xaa: {  	_ =	sfence.sel $0x180000  }
0xab: {  	[bflag:$0x0] =	sbarrier.arrive $0xFFFF  }
0xac: {  	p0 =	sne.s32 s1, $0x0;
	_ =	strace $0x90000047  }
0xad: {  	s0 =	sadd.s32 @!p0 $0x100000, s0;
	[bflag:$0x2] =	sbarrier.arrive $0xFFFF  }
0xae: {  	[sflag:s0] =	ssyncadd.tile.s32 @!p0 $0x1;
	_ =	shalt  }
.Lfunc_end2:
_tile_overlayer_lowered:
.L_overlay_start_2:
0xaf: {  	(tag) =	ssettag $0x2  }
0xb0: {  	s0 =	rddreg [dreg:$0x0];
	s2 =	stileid.u32  }
0xb1: {  	s1 =	rddreg [dreg:$0x1];
	p0 =	sne.s32 s2, $0x0  }
0xb2: {  	s3 =	rddreg [dreg:$0x2];
	[bflag:$0x3] =	sbarrier.arrive $0xFFFF;
	s2 =	simm.s32 @!p0 $0x1C03  }
0xb3: {  	[timem:s3], [sflag:s2] =	dma.local @!p0 [hbm:s0], s1  }
0xb4: {  	s0 =	simm.s32 @!p0 $0x3  }
0xb5: {  	_ =	swait.ge @!p0 [sflag:s0], s1  }
0xb6: {  	s1 =	ssub.s32 @!p0 $0x0, s1;
	[sflag:s0] =	ssyncset.done @!p0 $0x0  }
0xb7: {  	[sflag:s0] =	ssyncadd.s32 @!p0 s1  }
0xb8: {  	[bflag:$0x3] =	sbarrier.arrive $0xFFFF  }
0xb9: {  	_ =	shalt  }

</sc_bundles>
